<compile_context>
chip_gen: v7x
topology: tpu7x:2x2x1
jax: 0.10.2.dev20260603
libtpu: 0.0.44.dev20260713+nightly
codegen_flags: <defaults>
</compile_context>

<pallas_src>
import functools

import jax
import jax.numpy as jnp
import numpy as np
from jax import lax
from jax.experimental import pallas as pl
from jax.experimental.pallas import tpu as pltpu
from jax.experimental.pallas import tpu_sc as plsc

_VOCAB = 1000000
_S = 8192
_D = 64
_DP = 128
_B = 4096
_NIDS = _B + _S



def _candidate_constants():
    u = jax.random.uniform(jax.random.key(42), (_S,), dtype=jnp.float32)
    s = jnp.floor(jnp.exp(u * jnp.log(jnp.float32(_VOCAB + 1.0)))) - 1.0
    sampled = jnp.clip(s, 0, _VOCAB - 1).astype(jnp.int32)
    idsf = sampled.astype(jnp.float32)
    samp_p = (jnp.log(idsf + 2.0) - jnp.log(idsf + 1.0)) / jnp.log(
        jnp.float32(_VOCAB + 1.0))
    neg_log_samp_exp = -jnp.log(jnp.float32(_S) * samp_p)
    return sampled, neg_log_samp_exp


def _true_offsets(labels):
    labf = labels.astype(jnp.float32)
    true_p = (jnp.log(labf + 2.0) - jnp.log(labf + 1.0)) / jnp.log(
        jnp.float32(_VOCAB + 1.0))
    return jnp.log(jnp.float32(_S) * true_p)



_NC, _NS = 2, 16
_NW = _NC * _NS
_CH = 128
_CPW = _NIDS // (_NW * _CH)
_IPW = _CPW * _CH


def _sc_gather_body(table_hbm, idx_hbm, out_hbm, idx_v, rows_v, sem):
    wid = lax.axis_index("s") * _NC + lax.axis_index("c")
    pltpu.sync_copy(idx_hbm.at[pl.ds(wid * _IPW, _IPW)], idx_v)
    cps = [
        pltpu.async_copy(
            table_hbm.at[idx_v.at[pl.ds(j * _CH, _CH)]], rows_v.at[j], sem)
        for j in range(_CPW)
    ]
    for cp in cps:
        cp.wait()
    pltpu.sync_copy(rows_v, out_hbm.at[wid])


def _sc_gather(table_pad, ids):
    return pl.kernel(
        _sc_gather_body,
        out_type=jax.ShapeDtypeStruct((_NW, _CPW, _CH, _DP), jnp.float32),
        mesh=plsc.VectorSubcoreMesh(
            core_axis_name="c", subcore_axis_name="s",
            num_cores=_NC, num_subcores=_NS),
        scratch_types=[
            pltpu.VMEM((_IPW,), jnp.int32),
            pltpu.VMEM((_CPW, _CH, _DP), jnp.float32),
            pltpu.SemaphoreType.DMA,
        ],
        compiler_params=pltpu.CompilerParams(use_tc_tiling_on_sc=True),
    )(table_pad, ids)



_BT = 256
_NT = _B // _BT


def _tc_loss_body(u_ref, tw_ref, lab_ref, toff_ref, sw_ref, nls_ref, sid_ref,
                  out_ref):
    u = u_ref[...]
    logits = lax.dot_general(
        u, sw_ref[...], (((1,), (1,)), ((), ())),
        preferred_element_type=jnp.float32)
    x = logits + nls_ref[...]
    labs = lab_ref[0, 0, :]
    hit = labs[:, None] == sid_ref[...]
    x = jnp.where(hit, x - 1e9, x)
    true_logit = jnp.sum(u * tw_ref[...], axis=1) - toff_ref[0, 0, :]
    m = jnp.maximum(jnp.max(x, axis=1), true_logit)
    se = jnp.sum(jnp.exp(x - m[:, None]), axis=1) + jnp.exp(true_logit - m)
    out_ref[0, 0, :] = jnp.log(se) + m - true_logit


def _tc_loss(user_emb, true_w, labels3d, true_off3d, samp_w, neg_log_se,
             sampled_ids):
    return pl.pallas_call(
        _tc_loss_body,
        grid=(_NT,),
        in_specs=[
            pl.BlockSpec((_BT, _D), lambda i: (i, 0)),
            pl.BlockSpec((_BT, _D), lambda i: (i, 0)),
            pl.BlockSpec((1, 1, _BT), lambda i: (i, 0, 0)),
            pl.BlockSpec((1, 1, _BT), lambda i: (i, 0, 0)),
            pl.BlockSpec((_S, _D), lambda i: (0, 0)),
            pl.BlockSpec((1, _S), lambda i: (0, 0)),
            pl.BlockSpec((1, _S), lambda i: (0, 0)),
        ],
        out_specs=pl.BlockSpec((1, 1, _BT), lambda i: (i, 0, 0)),
        out_shape=jax.ShapeDtypeStruct((_NT, 1, _BT), jnp.float32),
    )(user_emb, true_w, labels3d, true_off3d, samp_w, neg_log_se, sampled_ids)


def kernel(item_embedding, user_emb, label_index, zero_bias):
    del zero_bias
    labels = label_index.reshape(-1).astype(jnp.int32)
    sampled, neg_log_samp_exp = _candidate_constants()
    true_off = _true_offsets(labels)
    ids = jnp.concatenate([labels, sampled])
    table_pad = jnp.concatenate(
        [item_embedding, jnp.zeros((_VOCAB, _DP - _D), jnp.float32)], axis=1)
    rows = _sc_gather(table_pad, ids)
    rows = rows.reshape(_NIDS, _DP)[:, :_D]
    loss = _tc_loss(
        user_emb, rows[:_B], labels.reshape(_NT, 1, _BT),
        true_off.reshape(_NT, 1, _BT), rows[_B:],
        neg_log_samp_exp.reshape(1, _S), sampled.reshape(1, _S))
    return loss.reshape(_B, 1)

# --- scband reference (transcript-rebuilt; emitter-appended) ---
"""Pipeline reference for scband-sampled-softmax-layer-59485297050156 (READ-ONLY COPY).

The authoritative reference and input builder live on the scoring server;
editing this copy changes nothing except your own understanding.
"""

import jax, jax.numpy as jnp
import numpy as np

VOCAB_SIZE = 1000000
NUM_SAMPLED = 8192
EMB_DIM = 64
BATCH = 4096


def _log_uniform_sample(key, num_sampled, vocab):
    # TF log-uniform (Zipfian) candidate sampler
    u = jax.random.uniform(key, (num_sampled,), dtype=jnp.float32)
    s = jnp.floor(jnp.exp(u * jnp.log(jnp.float32(vocab + 1.0)))) - 1.0
    return jnp.clip(s, 0, vocab - 1).astype(jnp.int32)


def _log_uniform_prob(ids, vocab):
    idsf = ids.astype(jnp.float32)
    return (jnp.log(idsf + 2.0) - jnp.log(idsf + 1.0)) / jnp.log(jnp.float32(vocab + 1.0))


def setup_inputs(seed: int = 0) -> dict:
    key = jax.random.key(seed)
    k1, k2, k3 = jax.random.split(key, 3)
    item_embedding = jax.random.normal(k1, (VOCAB_SIZE, EMB_DIM), dtype=jnp.float32) * 0.05
    user_emb = jax.random.normal(k2, (BATCH, EMB_DIM), dtype=jnp.float32)
    label_index = jax.random.randint(k3, (BATCH, 1), 0, VOCAB_SIZE, dtype=jnp.int64)
    zero_bias = jnp.zeros((VOCAB_SIZE,), dtype=jnp.float32)
    return {"item_embedding": item_embedding, "user_emb": user_emb, "label_index": label_index, "zero_bias": zero_bias}


def reference(item_embedding, user_emb, label_index, zero_bias):
    labels = label_index.reshape(-1).astype(jnp.int32)
    skey = jax.random.key(42)
    sampled = _log_uniform_sample(skey, NUM_SAMPLED, VOCAB_SIZE)

    true_p = _log_uniform_prob(labels, VOCAB_SIZE)
    samp_p = _log_uniform_prob(sampled, VOCAB_SIZE)
    # expected counts for sampling-with-replacement approximation
    true_exp = jnp.float32(NUM_SAMPLED) * true_p
    samp_exp = jnp.float32(NUM_SAMPLED) * samp_p

    # gather true class weights/biases (embedding lookup)
    true_w = jnp.take(item_embedding, labels, axis=0)          # [B, d]
    true_b = jnp.take(zero_bias, labels)                        # [B]
    true_logits = jnp.sum(user_emb * true_w, axis=-1) + true_b - jnp.log(true_exp)

    # gather sampled class weights/biases
    samp_w = jnp.take(item_embedding, sampled, axis=0)          # [S, d]
    samp_b = jnp.take(zero_bias, sampled)                       # [S]
    samp_logits = user_emb @ samp_w.T + samp_b[None, :] - jnp.log(samp_exp)[None, :]

    # remove accidental hits (sampled candidate equals the true label)
    acc_hit = labels[:, None] == sampled[None, :]
    samp_logits = jnp.where(acc_hit, samp_logits - 1e9, samp_logits)

    logits = jnp.concatenate([true_logits[:, None], samp_logits], axis=1)  # [B, 1+S]
    # softmax cross-entropy with the true class in column 0
    loss = jax.nn.logsumexp(logits, axis=1) - logits[:, 0]
    return loss[:, None]

if __name__ == "__main__":
    import jax
    _d = setup_inputs()
    print(jax.jit(kernel)(*tuple(_d.values())))

</pallas_src>

<mosaic_0001>
#map = affine_map<(d0, d1) -> (0, 0)>
#map1 = affine_map<(d0, d1) -> (0)>
#map2 = affine_map<(d0, d1) -> (0, 0, 0, 0)>
module attributes {stable_mosaic.version = 14 : i64} {
  func.func @_sc_gather_body(%arg0: i32, %arg1: i32, %arg2: memref<1000000x128xf32, #tpu.memory_space<hbm>>, %arg3: memref<12288xi32, #tpu.memory_space<hbm>>, %arg4: memref<32x3x128x128xf32, #tpu.memory_space<hbm>>, %arg5: memref<384xi32, #tpu.memory_space<vmem>>, %arg6: memref<3x128x128xf32, #tpu.memory_space<vmem>>, %arg7: memref<!tpu.dma_semaphore, #tpu.memory_space<semaphore_mem>>) attributes {dimension_semantics = [#tpu.dimension_semantics<core_parallel>, #tpu.dimension_semantics<subcore_parallel>], iteration_bounds = array<i64: 2, 16>, scalar_prefetch = 0 : i64, scratch_operands = 3 : i64, tpu.core_type = #tpu.core_type<sc_vector_subcore>, window_params = [{transform_indices = #map}, {transform_indices = #map1}, {transform_indices = #map2}]} {
    %mul3A = arith.constant 2 : i32
    %mul3A_0 = arith.muli %arg1, %mul3A : i32
    %add3A = arith.addi %mul3A_0, %arg0 : i32
    %mul3A_1 = arith.constant 384 : i32
    %mul3A_2 = arith.muli %add3A, %mul3A_1 : i32
    "tpu.region"() ({
      %run_scoped3A = tpu.sem_alloc : memref<!tpu.dma_semaphore, #tpu.memory_space<semaphore_mem>>
      %dma_start3A_61 = tpu.memref_slice %arg3[%mul3A_2] : memref<12288xi32, #tpu.memory_space<hbm>> -> memref<384xi32, #tpu.memory_space<hbm>>
      %dma_start3A_62 = tpu.memref_slice %arg3[%mul3A_2] : memref<12288xi32, #tpu.memory_space<hbm>> -> memref<384xi32, #tpu.memory_space<hbm>>
      tpu.enqueue_dma source(%dma_start3A_62 : memref<384xi32, #tpu.memory_space<hbm>>) target(%arg5 : memref<384xi32, #tpu.memory_space<vmem>>) target_semaphore(%run_scoped3A : memref<!tpu.dma_semaphore, #tpu.memory_space<semaphore_mem>>)
      %dma_wait3A_63 = tpu.memref_slice %arg3[%mul3A_2] : memref<12288xi32, #tpu.memory_space<hbm>> -> memref<384xi32, #tpu.memory_space<hbm>>
      %dma_wait3A_64 = tpu.memref_slice %arg3[%mul3A_2] : memref<12288xi32, #tpu.memory_space<hbm>> -> memref<384xi32, #tpu.memory_space<hbm>>
      tpu.wait_dma2 semaphore(%run_scoped3A : memref<!tpu.dma_semaphore, #tpu.memory_space<semaphore_mem>>) src(%dma_wait3A_64 : memref<384xi32, #tpu.memory_space<hbm>>) dst(%arg5 : memref<384xi32, #tpu.memory_space<vmem>>)
      tpu.yield
    }) : () -> ()
    %dma_start3A = arith.constant 0 : i32
    %dma_start3A_3 = arith.constant 0 : i32
    %dma_start3A_4 = arith.constant 0 : i32
    %dma_start3A_5 = tpu.memref_slice %arg6[%dma_start3A, %dma_start3A_3, %dma_start3A_4] : memref<3x128x128xf32, #tpu.memory_space<vmem>> -> memref<1x128x128xf32, #tpu.memory_space<vmem>>
    %dma_start3A_6 = tpu.memref_squeeze %dma_start3A_5 : memref<1x128x128xf32, #tpu.memory_space<vmem>> -> memref<128x128xf32, #tpu.memory_space<vmem>>
    %dma_start3A_7 = arith.constant 0 : i32
    %dma_start3A_8 = tpu.memref_slice %arg5[%dma_start3A_7] : memref<384xi32, #tpu.memory_space<vmem>> -> memref<128xi32, #tpu.memory_space<vmem>>
    %dma_start3A_9 = arith.constant 0 : i32
    %dma_start3A_10 = arith.constant 0 : i32
    %dma_start3A_11 = tpu.memref_slice %arg2[%dma_start3A_9, %dma_start3A_10] : memref<1000000x128xf32, #tpu.memory_space<hbm>> -> memref<1000000x128xf32, #tpu.memory_space<hbm>>
    tpu.enqueue_indirect_dma source(%dma_start3A_11 : memref<1000000x128xf32, #tpu.memory_space<hbm>>) target(%dma_start3A_6 : memref<128x128xf32, #tpu.memory_space<vmem>>) offsets(%dma_start3A_8 : memref<128xi32, #tpu.memory_space<vmem>>) semaphore(%arg7 : memref<!tpu.dma_semaphore, #tpu.memory_space<semaphore_mem>>)
    %dma_start3A_12 = arith.constant 1 : i32
    %dma_start3A_13 = arith.constant 0 : i32
    %dma_start3A_14 = arith.constant 0 : i32
    %dma_start3A_15 = tpu.memref_slice %arg6[%dma_start3A_12, %dma_start3A_13, %dma_start3A_14] : memref<3x128x128xf32, #tpu.memory_space<vmem>> -> memref<1x128x128xf32, #tpu.memory_space<vmem>>
    %dma_start3A_16 = tpu.memref_squeeze %dma_start3A_15 : memref<1x128x128xf32, #tpu.memory_space<vmem>> -> memref<128x128xf32, #tpu.memory_space<vmem>>
    %dma_start3A_17 = arith.constant 128 : i32
    %dma_start3A_18 = tpu.memref_slice %arg5[%dma_start3A_17] : memref<384xi32, #tpu.memory_space<vmem>> -> memref<128xi32, #tpu.memory_space<vmem>>
    %dma_start3A_19 = arith.constant 0 : i32
    %dma_start3A_20 = arith.constant 0 : i32
    %dma_start3A_21 = tpu.memref_slice %arg2[%dma_start3A_19, %dma_start3A_20] : memref<1000000x128xf32, #tpu.memory_space<hbm>> -> memref<1000000x128xf32, #tpu.memory_space<hbm>>
    tpu.enqueue_indirect_dma source(%dma_start3A_21 : memref<1000000x128xf32, #tpu.memory_space<hbm>>) target(%dma_start3A_16 : memref<128x128xf32, #tpu.memory_space<vmem>>) offsets(%dma_start3A_18 : memref<128xi32, #tpu.memory_space<vmem>>) semaphore(%arg7 : memref<!tpu.dma_semaphore, #tpu.memory_space<semaphore_mem>>)
    %dma_start3A_22 = arith.constant 2 : i32
    %dma_start3A_23 = arith.constant 0 : i32
    %dma_start3A_24 = arith.constant 0 : i32
    %dma_start3A_25 = tpu.memref_slice %arg6[%dma_start3A_22, %dma_start3A_23, %dma_start3A_24] : memref<3x128x128xf32, #tpu.memory_space<vmem>> -> memref<1x128x128xf32, #tpu.memory_space<vmem>>
    %dma_start3A_26 = tpu.memref_squeeze %dma_start3A_25 : memref<1x128x128xf32, #tpu.memory_space<vmem>> -> memref<128x128xf32, #tpu.memory_space<vmem>>
    %dma_start3A_27 = arith.constant 256 : i32
    %dma_start3A_28 = tpu.memref_slice %arg5[%dma_start3A_27] : memref<384xi32, #tpu.memory_space<vmem>> -> memref<128xi32, #tpu.memory_space<vmem>>
    %dma_start3A_29 = arith.constant 0 : i32
    %dma_start3A_30 = arith.constant 0 : i32
    %dma_start3A_31 = tpu.memref_slice %arg2[%dma_start3A_29, %dma_start3A_30] : memref<1000000x128xf32, #tpu.memory_space<hbm>> -> memref<1000000x128xf32, #tpu.memory_space<hbm>>
    tpu.enqueue_indirect_dma source(%dma_start3A_31 : memref<1000000x128xf32, #tpu.memory_space<hbm>>) target(%dma_start3A_26 : memref<128x128xf32, #tpu.memory_space<vmem>>) offsets(%dma_start3A_28 : memref<128xi32, #tpu.memory_space<vmem>>) semaphore(%arg7 : memref<!tpu.dma_semaphore, #tpu.memory_space<semaphore_mem>>)
    %dma_wait3A = arith.constant 0 : i32
    %dma_wait3A_32 = arith.constant 0 : i32
    %dma_wait3A_33 = arith.constant 0 : i32
    %dma_wait3A_34 = tpu.memref_slice %arg6[%dma_wait3A, %dma_wait3A_32, %dma_wait3A_33] : memref<3x128x128xf32, #tpu.memory_space<vmem>> -> memref<1x128x128xf32, #tpu.memory_space<vmem>>
    %dma_wait3A_35 = tpu.memref_squeeze %dma_wait3A_34 : memref<1x128x128xf32, #tpu.memory_space<vmem>> -> memref<128x128xf32, #tpu.memory_space<vmem>>
    %dma_wait3A_36 = arith.constant 0 : i32
    %dma_wait3A_37 = tpu.memref_slice %arg5[%dma_wait3A_36] : memref<384xi32, #tpu.memory_space<vmem>> -> memref<128xi32, #tpu.memory_space<vmem>>
    %dma_wait3A_38 = arith.constant 0 : i32
    %dma_wait3A_39 = arith.constant 0 : i32
    %dma_wait3A_40 = tpu.memref_slice %arg2[%dma_wait3A_38, %dma_wait3A_39] : memref<1000000x128xf32, #tpu.memory_space<hbm>> -> memref<1000000x128xf32, #tpu.memory_space<hbm>>
    tpu.wait_indirect_dma semaphore(%arg7 : memref<!tpu.dma_semaphore, #tpu.memory_space<semaphore_mem>>) src(%dma_wait3A_40 : memref<1000000x128xf32, #tpu.memory_space<hbm>>) dst(%dma_wait3A_35 : memref<128x128xf32, #tpu.memory_space<vmem>>)
    %dma_wait3A_41 = arith.constant 1 : i32
    %dma_wait3A_42 = arith.constant 0 : i32
    %dma_wait3A_43 = arith.constant 0 : i32
    %dma_wait3A_44 = tpu.memref_slice %arg6[%dma_wait3A_41, %dma_wait3A_42, %dma_wait3A_43] : memref<3x128x128xf32, #tpu.memory_space<vmem>> -> memref<1x128x128xf32, #tpu.memory_space<vmem>>
    %dma_wait3A_45 = tpu.memref_squeeze %dma_wait3A_44 : memref<1x128x128xf32, #tpu.memory_space<vmem>> -> memref<128x128xf32, #tpu.memory_space<vmem>>
    %dma_wait3A_46 = arith.constant 128 : i32
    %dma_wait3A_47 = tpu.memref_slice %arg5[%dma_wait3A_46] : memref<384xi32, #tpu.memory_space<vmem>> -> memref<128xi32, #tpu.memory_space<vmem>>
    %dma_wait3A_48 = arith.constant 0 : i32
    %dma_wait3A_49 = arith.constant 0 : i32
    %dma_wait3A_50 = tpu.memref_slice %arg2[%dma_wait3A_48, %dma_wait3A_49] : memref<1000000x128xf32, #tpu.memory_space<hbm>> -> memref<1000000x128xf32, #tpu.memory_space<hbm>>
    tpu.wait_indirect_dma semaphore(%arg7 : memref<!tpu.dma_semaphore, #tpu.memory_space<semaphore_mem>>) src(%dma_wait3A_50 : memref<1000000x128xf32, #tpu.memory_space<hbm>>) dst(%dma_wait3A_45 : memref<128x128xf32, #tpu.memory_space<vmem>>)
    %dma_wait3A_51 = arith.constant 2 : i32
    %dma_wait3A_52 = arith.constant 0 : i32
    %dma_wait3A_53 = arith.constant 0 : i32
    %dma_wait3A_54 = tpu.memref_slice %arg6[%dma_wait3A_51, %dma_wait3A_52, %dma_wait3A_53] : memref<3x128x128xf32, #tpu.memory_space<vmem>> -> memref<1x128x128xf32, #tpu.memory_space<vmem>>
    %dma_wait3A_55 = tpu.memref_squeeze %dma_wait3A_54 : memref<1x128x128xf32, #tpu.memory_space<vmem>> -> memref<128x128xf32, #tpu.memory_space<vmem>>
    %dma_wait3A_56 = arith.constant 256 : i32
    %dma_wait3A_57 = tpu.memref_slice %arg5[%dma_wait3A_56] : memref<384xi32, #tpu.memory_space<vmem>> -> memref<128xi32, #tpu.memory_space<vmem>>
    %dma_wait3A_58 = arith.constant 0 : i32
    %dma_wait3A_59 = arith.constant 0 : i32
    %dma_wait3A_60 = tpu.memref_slice %arg2[%dma_wait3A_58, %dma_wait3A_59] : memref<1000000x128xf32, #tpu.memory_space<hbm>> -> memref<1000000x128xf32, #tpu.memory_space<hbm>>
    tpu.wait_indirect_dma semaphore(%arg7 : memref<!tpu.dma_semaphore, #tpu.memory_space<semaphore_mem>>) src(%dma_wait3A_60 : memref<1000000x128xf32, #tpu.memory_space<hbm>>) dst(%dma_wait3A_55 : memref<128x128xf32, #tpu.memory_space<vmem>>)
    "tpu.region"() ({
      %run_scoped3A = tpu.sem_alloc : memref<!tpu.dma_semaphore, #tpu.memory_space<semaphore_mem>>
      %dma_start3A_61 = arith.constant 0 : i32
      %dma_start3A_62 = arith.constant 0 : i32
      %dma_start3A_63 = arith.constant 0 : i32
      %dma_start3A_64 = tpu.memref_slice %arg4[%add3A, %dma_start3A_61, %dma_start3A_62, %dma_start3A_63] : memref<32x3x128x128xf32, #tpu.memory_space<hbm>> -> memref<1x3x128x128xf32, #tpu.memory_space<hbm>>
      %dma_start3A_65 = tpu.memref_squeeze %dma_start3A_64 : memref<1x3x128x128xf32, #tpu.memory_space<hbm>> -> memref<3x128x128xf32, #tpu.memory_space<hbm>>
      %dma_start3A_66 = arith.constant 0 : i32
      %dma_start3A_67 = arith.constant 0 : i32
      %dma_start3A_68 = arith.constant 0 : i32
      %dma_start3A_69 = tpu.memref_slice %arg4[%add3A, %dma_start3A_66, %dma_start3A_67, %dma_start3A_68] : memref<32x3x128x128xf32, #tpu.memory_space<hbm>> -> memref<1x3x128x128xf32, #tpu.memory_space<hbm>>
      %dma_start3A_70 = tpu.memref_squeeze %dma_start3A_69 : memref<1x3x128x128xf32, #tpu.memory_space<hbm>> -> memref<3x128x128xf32, #tpu.memory_space<hbm>>
      tpu.enqueue_dma source(%arg6 : memref<3x128x128xf32, #tpu.memory_space<vmem>>) target(%dma_start3A_70 : memref<3x128x128xf32, #tpu.memory_space<hbm>>) target_semaphore(%run_scoped3A : memref<!tpu.dma_semaphore, #tpu.memory_space<semaphore_mem>>)
      %dma_wait3A_71 = arith.constant 0 : i32
      %dma_wait3A_72 = arith.constant 0 : i32
      %dma_wait3A_73 = arith.constant 0 : i32
      %dma_wait3A_74 = tpu.memref_slice %arg4[%add3A, %dma_wait3A_71, %dma_wait3A_72, %dma_wait3A_73] : memref<32x3x128x128xf32, #tpu.memory_space<hbm>> -> memref<1x3x128x128xf32, #tpu.memory_space<hbm>>
      %dma_wait3A_75 = tpu.memref_squeeze %dma_wait3A_74 : memref<1x3x128x128xf32, #tpu.memory_space<hbm>> -> memref<3x128x128xf32, #tpu.memory_space<hbm>>
      %dma_wait3A_76 = arith.constant 0 : i32
      %dma_wait3A_77 = arith.constant 0 : i32
      %dma_wait3A_78 = arith.constant 0 : i32
      %dma_wait3A_79 = tpu.memref_slice %arg4[%add3A, %dma_wait3A_76, %dma_wait3A_77, %dma_wait3A_78] : memref<32x3x128x128xf32, #tpu.memory_space<hbm>> -> memref<1x3x128x128xf32, #tpu.memory_space<hbm>>
      %dma_wait3A_80 = tpu.memref_squeeze %dma_wait3A_79 : memref<1x3x128x128xf32, #tpu.memory_space<hbm>> -> memref<3x128x128xf32, #tpu.memory_space<hbm>>
      tpu.wait_dma2 semaphore(%run_scoped3A : memref<!tpu.dma_semaphore, #tpu.memory_space<semaphore_mem>>) src(%arg6 : memref<3x128x128xf32, #tpu.memory_space<vmem>>) dst(%dma_wait3A_80 : memref<3x128x128xf32, #tpu.memory_space<hbm>>)
      tpu.yield
    }) : () -> ()
    return
  }
}

module attributes {stable_mosaic.version = 14 : i64} {
  func.func @_tc_loss_body(%arg0: i32, %arg1: memref<256x64xf32, #tpu.memory_space<vmem>>, %arg2: memref<256x64xf32, #tpu.memory_space<vmem>>, %arg3: memref<1x1x256xi32, #tpu.memory_space<vmem>>, %arg4: memref<1x1x256xf32, #tpu.memory_space<vmem>>, %arg5: memref<8192x64xf32, #tpu.memory_space<vmem>>, %arg6: memref<1x8192xf32, #tpu.memory_space<vmem>>, %arg7: memref<1x8192xi32, #tpu.memory_space<vmem>>, %arg8: memref<1x1x256xf32, #tpu.memory_space<vmem>>) attributes {dimension_semantics = [#tpu.dimension_semantics<arbitrary>], iteration_bounds = array<i64: 16>, scalar_prefetch = 0 : i64, scratch_operands = 0 : i64, tpu.core_type = #tpu.core_type<tc>, window_params = [{transform_indices = @transform_0, window_bounds = array<i64: 256, 64>}, {transform_indices = @transform_1, window_bounds = array<i64: 256, 64>}, {transform_indices = @transform_2, window_bounds = array<i64: 1, 1, 256>}, {transform_indices = @transform_3, window_bounds = array<i64: 1, 1, 256>}, {pipeline_mode = #tpu.pipeline_mode<synchronous>, transform_indices = @transform_4, window_bounds = array<i64: 8192, 64>}, {pipeline_mode = #tpu.pipeline_mode<synchronous>, transform_indices = @transform_5, window_bounds = array<i64: 1, 8192>}, {pipeline_mode = #tpu.pipeline_mode<synchronous>, transform_indices = @transform_6, window_bounds = array<i64: 1, 8192>}, {transform_indices = @transform_7, window_bounds = array<i64: 1, 1, 256>}]} {
    %get3A = arith.constant 0 : index
    %get3A_0 = arith.constant 0 : index
    %get3A_1 = vector.load %arg1[%get3A, %get3A_0] : memref<256x64xf32, #tpu.memory_space<vmem>>, vector<256x64xf32>
    %get3A_2 = arith.constant 0 : index
    %get3A_3 = arith.constant 0 : index
    %get3A_4 = vector.load %arg5[%get3A_2, %get3A_3] : memref<8192x64xf32, #tpu.memory_space<vmem>>, vector<8192x64xf32>
    %dot_general3A = arith.constant dense<0.000000e+00> : vector<256x8192xf32>
    %dot_general3A_5 = tpu.matmul %get3A_1, %get3A_4, %dot_general3A {dimension_numbers = #tpu.dot_dimension_numbers<[1], [1], [0], [0], [0, 0, 1, 0], [], []>, transpose_lhs_hint = false} : vector<256x64xf32>, vector<8192x64xf32>, vector<256x8192xf32> -> vector<256x8192xf32>
    %get3A_6 = arith.constant 0 : index
    %get3A_7 = arith.constant 0 : index
    %get3A_8 = vector.load %arg6[%get3A_6, %get3A_7] : memref<1x8192xf32, #tpu.memory_space<vmem>>, vector<1x8192xf32>
    %add3A = vector.broadcast %get3A_8 : vector<1x8192xf32> to vector<256x8192xf32>
    %add3A_9 = arith.addf %dot_general3A_5, %add3A : vector<256x8192xf32>
    %get3A_10 = arith.constant 0 : index
    %get3A_11 = arith.constant 0 : index
    %get3A_12 = arith.constant 0 : index
    %get3A_13 = vector.load %arg3[%get3A_10, %get3A_11, %get3A_12] : memref<1x1x256xi32, #tpu.memory_space<vmem>>, vector<1x1x256xi32>
    %get3A_14 = vector.shape_cast %get3A_13 : vector<1x1x256xi32> to vector<256xi32>
    %broadcast_in_dim3A = vector.shape_cast %get3A_14 : vector<256xi32> to vector<256x1xi32>
    %get3A_15 = arith.constant 0 : index
    %get3A_16 = arith.constant 0 : index
    %get3A_17 = vector.load %arg7[%get3A_15, %get3A_16] : memref<1x8192xi32, #tpu.memory_space<vmem>>, vector<1x8192xi32>
    %eq3A = vector.broadcast %broadcast_in_dim3A : vector<256x1xi32> to vector<256x8192xi32>
    %eq3A_18 = vector.broadcast %get3A_17 : vector<1x8192xi32> to vector<256x8192xi32>
    %eq3A_19 = arith.cmpi eq, %eq3A, %eq3A_18 : vector<256x8192xi32>
    %sub3A = arith.constant 1.000000e+09 : f32
    %sub3A_20 = vector.broadcast %sub3A : f32 to vector<256x8192xf32>
    %sub3A_21 = arith.subf %add3A_9, %sub3A_20 : vector<256x8192xf32>
    %select_n3A = arith.select %eq3A_19, %sub3A_21, %add3A_9 : vector<256x8192xi1>, vector<256x8192xf32>
    %get3A_22 = arith.constant 0 : index
    %get3A_23 = arith.constant 0 : index
    %get3A_24 = vector.load %arg2[%get3A_22, %get3A_23] : memref<256x64xf32, #tpu.memory_space<vmem>>, vector<256x64xf32>
    %mul3A = arith.mulf %get3A_1, %get3A_24 : vector<256x64xf32>
    %reduce_sum3A = arith.constant dense<0.000000e+00> : vector<256xf32>
    %reduce_sum3A_25 = vector.multi_reduction <add>, %mul3A, %reduce_sum3A [1] : vector<256x64xf32> to vector<256xf32>
    %get3A_26 = arith.constant 0 : index
    %get3A_27 = arith.constant 0 : index
    %get3A_28 = arith.constant 0 : index
    %get3A_29 = vector.load %arg4[%get3A_26, %get3A_27, %get3A_28] : memref<1x1x256xf32, #tpu.memory_space<vmem>>, vector<1x1x256xf32>
    %get3A_30 = vector.shape_cast %get3A_29 : vector<1x1x256xf32> to vector<256xf32>
    %sub3A_31 = arith.subf %reduce_sum3A_25, %get3A_30 : vector<256xf32>
    %reduce_max3A = arith.constant dense<0xFF800000> : vector<256xf32>
    %reduce_max3A_32 = vector.multi_reduction <maximumf>, %select_n3A, %reduce_max3A [1] : vector<256x8192xf32> to vector<256xf32>
    %max3A = arith.maximumf %reduce_max3A_32, %sub3A_31 : vector<256xf32>
    %broadcast_in_dim3A_33 = vector.shape_cast %max3A : vector<256xf32> to vector<256x1xf32>
    %sub3A_34 = vector.broadcast %broadcast_in_dim3A_33 : vector<256x1xf32> to vector<256x8192xf32>
    %sub3A_35 = arith.subf %select_n3A, %sub3A_34 : vector<256x8192xf32>
    %exp3A = math.exp %sub3A_35 : vector<256x8192xf32>
    %reduce_sum3A_36 = arith.constant dense<0.000000e+00> : vector<256xf32>
    %reduce_sum3A_37 = vector.multi_reduction <add>, %exp3A, %reduce_sum3A_36 [1] : vector<256x8192xf32> to vector<256xf32>
    %sub3A_38 = arith.subf %sub3A_31, %max3A : vector<256xf32>
    %exp3A_39 = math.exp %sub3A_38 : vector<256xf32>
    %add3A_40 = arith.addf %reduce_sum3A_37, %exp3A_39 : vector<256xf32>
    %log3A = math.log %add3A_40 : vector<256xf32>
    %add3A_41 = arith.addf %log3A, %max3A : vector<256xf32>
    %sub3A_42 = arith.subf %add3A_41, %sub3A_31 : vector<256xf32>
    %swap3A = arith.constant 0 : index
    %swap3A_43 = arith.constant 0 : index
    %swap3A_44 = arith.constant 0 : index
    %swap3A_45 = vector.load %arg8[%swap3A, %swap3A_43, %swap3A_44] : memref<1x1x256xf32, #tpu.memory_space<vmem>>, vector<1x1x256xf32>
    %swap3A_46 = vector.shape_cast %swap3A_45 : vector<1x1x256xf32> to vector<256xf32>
    %swap3A_47 = vector.shape_cast %sub3A_42 : vector<256xf32> to vector<1x1x256xf32>
    tpu.vector_store %arg8[%swap3A, %swap3A_43, %swap3A_44], %swap3A_47 {strides = array<i32>} : memref<1x1x256xf32, #tpu.memory_space<vmem>>, vector<1x1x256xf32>,
    return
  }
  func.func @transform_0(%arg0: i32) -> (i32, i32) {
    %c0_i32 = arith.constant 0 : i32
    %c0_i32_0 = arith.constant 0 : i32
    return %arg0, %c0_i32 : i32, i32
  }
  func.func @transform_1(%arg0: i32) -> (i32, i32) {
    %c0_i32 = arith.constant 0 : i32
    %c0_i32_0 = arith.constant 0 : i32
    return %arg0, %c0_i32 : i32, i32
  }
  func.func @transform_2(%arg0: i32) -> (i32, i32, i32) {
    %c0_i32 = arith.constant 0 : i32
    %c0_i32_0 = arith.constant 0 : i32
    %c0_i32_1 = arith.constant 0 : i32
    return %arg0, %c0_i32, %c0_i32_0 : i32, i32, i32
  }
  func.func @transform_3(%arg0: i32) -> (i32, i32, i32) {
    %c0_i32 = arith.constant 0 : i32
    %c0_i32_0 = arith.constant 0 : i32
    %c0_i32_1 = arith.constant 0 : i32
    return %arg0, %c0_i32, %c0_i32_0 : i32, i32, i32
  }
  func.func @transform_4(%arg0: i32) -> (i32, i32) {
    %c0_i32 = arith.constant 0 : i32
    %c0_i32_0 = arith.constant 0 : i32
    %c0_i32_1 = arith.constant 0 : i32
    return %c0_i32, %c0_i32_0 : i32, i32
  }
  func.func @transform_5(%arg0: i32) -> (i32, i32) {
    %c0_i32 = arith.constant 0 : i32
    %c0_i32_0 = arith.constant 0 : i32
    %c0_i32_1 = arith.constant 0 : i32
    return %c0_i32, %c0_i32_0 : i32, i32
  }
  func.func @transform_6(%arg0: i32) -> (i32, i32) {
    %c0_i32 = arith.constant 0 : i32
    %c0_i32_0 = arith.constant 0 : i32
    %c0_i32_1 = arith.constant 0 : i32
    return %c0_i32, %c0_i32_0 : i32, i32
  }
  func.func @transform_7(%arg0: i32) -> (i32, i32, i32) {
    %c0_i32 = arith.constant 0 : i32
    %c0_i32_0 = arith.constant 0 : i32
    %c0_i32_1 = arith.constant 0 : i32
    return %arg0, %c0_i32, %c0_i32_0 : i32, i32, i32
  }
}

</mosaic_0001>

<sc_bundles>
// kernel: kernel.4.cloned.1.call-start
scs
__scs_entry_jumppad:
0x0: {  	(pc) =	sbr.rel $0x88, $3  }
0x1: {  	(tag) =	ssettag $0x0;
	lr =	simm.s32 $0x1  }
0x2: {  	[smem:$0x3F9E] =	sst lr;
	_ =	strace $0xD0000000  }
0x3: {  	_ = 	snop  }
0x4: {  	_ = 	snop  }
0x5: {  	_ = 	snop  }
0x6: {  	_ = 	snop  }
0x7: {  	_ = 	snop  }
__scs_overlays_trampoline_lowered:
0x8: {  	[smem:$0x3FAD] =	sst s0  }
0x9: {  	[smem:$0x3FAE] =	sst s1  }
0xa: {  	[smem:$0x3FAF] =	sst s2  }
0xb: {  	[smem:$0x3FB0] =	sst s3  }
0xc: {  	[smem:$0x3FB1] =	sst s4  }
0xd: {  	[smem:$0x3FB2] =	sst s5  }
0xe: {  	[smem:$0x3FB3] =	sst s6  }
0xf: {  	[smem:$0x3FB4] =	sst s7  }
0x10: {  	[smem:$0x3FB5] =	sst s8  }
0x11: {  	[smem:$0x3FB6] =	sst s9;
	s0 =	simm.s32 @!p0 $0x0  }
0x12: {  	s1 =	sld [smem:$0x3F9C];
	s0 =	simm.s32 @p0 $0x1  }
0x13: {  	[smem:$0x3FB7] =	sst s0;
	s0 =	simm.s32 @!p1 $0x0  }
0x14: {  	s2 =	sld [smem:$0x3F9B];
	s0 =	simm.s32 @p1 $0x1  }
0x15: {  	[smem:$0x3FB8] =	sst s0;
	s0 =	simm.s32 @!p2 $0x0  }
0x16: {  	s3 =	sld [smem:$0x3FDB];
	s0 =	simm.s32 @p2 $0x1  }
0x17: {  	s4 =	simm.s32 $0x1BF5;
	[smem:$0x3FBA] =	sst s0  }
0x18: {  	s0 =	sld [smem:$0x3F9D];
	_ =	swait.ge [sflag:s4], $0x0  }
0x19: {  	s7 =	sld [smem:$0x3F9E]  }
0x1a: {  	s8 =	sadd.s32 $0xFFFFE003, lr  }
0x1b: {  	s9 =	sadd.s32 $0xFFFFFEF7, lr;
	s5 =	simm.s32 $0xFFFFFFFF;
	p2 =	slt.u32 s8, $0xFFFFF086  }
0x1c: {  	p1 =	slt.u32 s9, $0xF7A;
	s5 =	simm.s32 @!p2 $0x0  }
0x1d: {  	s5 =	simm.s32 @p1 $0x1;
	p0 =	seq.s32 s7, s2  }
0x1e: {  	s7 =	smul.u32 @!p0 $0xF7A, s2;
	p2 =	seq.s32 @!p0 s5, $0x0  }
0x1f: {  	s9 =	smul.u32 $0xF7A, s1;
	s8 =	simm.s32 @!p0 $0x1BF5;
	p2 =	por !p2, p0  }
0x20: {  	[sflag:s8] =	ssyncset.s32 @!p0 $0xFFFFF086;
	s6 =	sadd.s32 @!p0 s3, s7;
	s7 =	simm.s32 @!p0 $0x108  }
0x21: {  	s3 =	sadd.s32 s3, s9;
	s6 =	sadd.s32 @!p0 $0x88, s6;
	s7 =	simm.s32 @p2 $0x1082  }
0x22: {  	[simem:s7], [sflag:s8] =	dma.local @!p0 [hbm:s6], $0xF7A  }
0x23: {  	s9 =	sor.u32 $0xD0000000, s2;
	s6 =	simm.s32 $0x108;
	_ =	swait.ge @!p0 [sflag:s8], $0x0  }
0x24: {  	s3 =	sadd.s32 $0x88, s3;
	s6 =	simm.s32 @!p1 $0x1082;
	[sflag:s4] =	ssyncset.s32 $0xFFFFF086  }
0x25: {  	[simem:s6], [sflag:s4] =	dma.local [hbm:s3], $0xF7A  }
0x26: {  	[smem:$0x3F9E] =	sst s1;
	(tag) =	ssettag s2;
	_ =	strace s9  }
0x27: {  	s1 =	sld [smem:$0x3FAE]  }
0x28: {  	s2 =	sld [smem:$0x3FAF]  }
0x29: {  	s4 =	sld [smem:$0x3FB1]  }
0x2a: {  	p0 =	seq.s32 s5, $0x0;
	s5 =	sld [smem:$0x3FB2]  }
0x2b: {  	s6 =	sld [smem:$0x3FB3]  }
0x2c: {  	s7 =	sld [smem:$0x3FB4]  }
0x2d: {  	s3 =	simm.s32 $0x108;
	s8 =	sld [smem:$0x3FB5]  }
0x2e: {  	s3 =	simm.s32 @!p0 $0x1082;
	s9 =	sld [smem:$0x3FB6]  }
0x2f: {  	lr =	sadd.s32 s0, s3;
	s0 =	sld [smem:$0x3FAD]  }
0x30: {  	s3 =	sld [smem:$0x3FB0]  }
0x31: {  	[smem:$0x3FB9] =	sst s10  }
0x32: {  	s10 =	sld [smem:$0x3FB7];
	_ =	sdelay $0x3  }
0x33: {  	p0 =	seq.s32 s10, $0x1;
	s10 =	sld [smem:$0x3FB9];
	_ =	sdelay $0x3  }
0x34: {  	[smem:$0x3FB9] =	sst s10  }
0x35: {  	s10 =	sld [smem:$0x3FB8];
	_ =	sdelay $0x3  }
0x36: {  	p1 =	seq.s32 s10, $0x1;
	s10 =	sld [smem:$0x3FB9];
	_ =	sdelay $0x3  }
0x37: {  	[smem:$0x3FB9] =	sst s10  }
0x38: {  	s10 =	sld [smem:$0x3FBA]  }
0x39: {  	_ = 	snop;
	(pc) =	sbr.ind lr, $3  }
0x3a: {  	_ = 	snop  }
0x3b: {  	_ = 	snop  }
0x3c: {  	p2 =	seq.s32 s10, $0x1;
	s10 =	sld [smem:$0x3FB9]  }
0x3d: {  	_ =	shalt  }
0x3e: {  	_ =	shalt  }
0x3f: {  	_ =	shalt  }
0x40: {  	_ =	shalt  }
0x41: {  	_ =	shalt  }
0x42: {  	_ =	shalt  }
0x43: {  	_ =	shalt  }
0x44: {  	_ =	shalt  }
0x45: {  	_ =	shalt  }
0x46: {  	_ =	shalt  }
0x47: {  	_ =	shalt  }
0x48: {  	_ =	shalt  }
0x49: {  	_ =	shalt  }
0x4a: {  	_ =	shalt  }
0x4b: {  	_ =	shalt  }
0x4c: {  	_ =	shalt  }
0x4d: {  	_ =	shalt  }
0x4e: {  	_ =	shalt  }
0x4f: {  	_ =	shalt  }
0x50: {  	_ =	shalt  }
0x51: {  	_ =	shalt  }
0x52: {  	_ =	shalt  }
0x53: {  	_ =	shalt  }
0x54: {  	_ =	shalt  }
0x55: {  	_ =	shalt  }
0x56: {  	_ =	shalt  }
0x57: {  	_ =	shalt  }
0x58: {  	_ =	shalt  }
0x59: {  	_ =	shalt  }
0x5a: {  	_ =	shalt  }
0x5b: {  	_ =	shalt  }
0x5c: {  	_ =	shalt  }
0x5d: {  	_ =	shalt  }
0x5e: {  	_ =	shalt  }
0x5f: {  	_ =	shalt  }
0x60: {  	_ =	shalt  }
0x61: {  	_ =	shalt  }
0x62: {  	_ =	shalt  }
0x63: {  	_ =	shalt  }
0x64: {  	_ =	shalt  }
0x65: {  	_ =	shalt  }
0x66: {  	_ =	shalt  }
0x67: {  	_ =	shalt  }
0x68: {  	_ =	shalt  }
0x69: {  	_ =	shalt  }
0x6a: {  	_ =	shalt  }
0x6b: {  	_ =	shalt  }
0x6c: {  	_ =	shalt  }
0x6d: {  	_ =	shalt  }
0x6e: {  	_ =	shalt  }
0x6f: {  	_ =	shalt  }
0x70: {  	_ =	shalt  }
0x71: {  	_ =	shalt  }
0x72: {  	_ =	shalt  }
0x73: {  	_ =	shalt  }
0x74: {  	_ =	shalt  }
0x75: {  	_ =	shalt  }
0x76: {  	_ =	shalt  }
0x77: {  	_ =	shalt  }
0x78: {  	_ =	shalt  }
0x79: {  	_ =	shalt  }
0x7a: {  	_ =	shalt  }
0x7b: {  	_ =	shalt  }
0x7c: {  	_ =	shalt  }
0x7d: {  	_ =	shalt  }
0x7e: {  	_ =	shalt  }
0x7f: {  	_ =	shalt  }
0x80: {  	_ =	shalt  }
0x81: {  	_ =	shalt  }
0x82: {  	_ =	shalt  }
0x83: {  	_ =	shalt  }
0x84: {  	_ =	shalt  }
0x85: {  	_ =	shalt  }
0x86: {  	_ =	shalt  }
0x87: {  	_ =	shalt  }
.Lfunc_end0:
.L_simem_size_0:
called_computation_lowered:
.L_overlay_start_0:
0x88: {  	s2 =	sld [smem:$0x3FD9]  }
0x89: {  	s3 =	sld [smem:$0x3FFE];
	_ =	sdelay $0x1  }
0x8a: {  	s1 =	srdreg.scid  }
0x8b: {  	s0 =	sand.u32 $0x1, s1  }
0x8c: {  	s16 =	sshll.u32 s0, $0xA;
	s2 =	sadd.s32 s3, s2  }
0x8d: {  	s2 =	sadd.s32 s2, s16  }
0x8e: {  	[smem:$0x3FC5] =	sst s2  }
0x8f: {  	_ = 	snop  }
0x90: {  	(tm) =	ssettm $0x1  }
0x91: {  	s17 =	sld [smem:$0x3FFB];
	_ =	sdelay $0x3  }
0x92: {  	_ =	strace s17  }
0x93: {  	s2 =	sld [smem:$0x3FFC];
	_ =	sdelay $0x3  }
0x94: {  	_ =	strace s2  }
0x95: {  	s2 =	sld [smem:$0x3FFD];
	_ =	sdelay $0x3  }
0x96: {  	_ =	strace s2  }
0x97: {  	_ =	strace $0x8FFFFFFF  }
0x98: {  	s18 =	sld [smem:$0x3FDB];
	_ =	sdelay $0x1  }
0x99: {  	s19 =	simm.s32 $_scs_section_size  }
0x9a: {  	s4 =	simm.s32 $_size__tile_overlayer_lowered;
	s5 =	simm.s32 $_tile_overlayer_lowered  }
0x9b: {  	s22 =	simm.s32 $0x1BFF;
	s21 =	sshll.u32 s5, $0x1;
	s2 =	sadd.s32 s19, s18  }
0x9c: {  	s6 =	simm.s32 $0x0;
	s20 =	sshll.u32 s4, $0x1;
	s4 =	sadd.s32 s21, s2  }
0x9d: {  	[timem:s6], [sflag:s22] =	dma.local [hbm:s4], s20  }
0x9e: {  	_ =	swait.ge [sflag:s22], s20  }
0x9f: {  	s3 =	ssub.s32 $0x0, s20;
	[sflag:s22] =	ssyncset.done $0x0  }
0xa0: {  	[sflag:s22] =	ssyncadd.s32 s3;
	_ =	sdelay $0x1  }
0xa1: {  	s23 =	simm.s32 $0x1B8B  }
0xa2: {  	_ =	swait.ge [sflag:s23], $0x1  }
0xa3: {  	[sflag:s23] =	ssyncset.done $0x0  }
0xa4: {  	s25 =	simm.s32 $0x1B8E;
	s24 =	sld [smem:$0x3FFE];
	[sflag:s23] =	ssyncadd.s32 $0xFFFFFFFF  }
0xa5: {  	s26 =	simm.s32 $execute0_lowered;
	[smem:$0x3FD2] =	sst s25  }
0xa6: {  	s4 =	sshll.u32 s26, $0x1;
	_ =	strace $0x80000046;
	[dreg:$0x1] =	wrdreg $0xFFFFFFFF  }
0xa7: {  	s28 =	simm.s32 $_size_execute0_lowered;
	s2 =	sadd.s32 s2, s4;
	[dreg:$0x0] =	wrdreg $0x0  }
0xa8: {  	s4 =	sshll.u32 s28, $0x1;
	[dreg:$0x2] =	wrdreg s2  }
0xa9: {  	[dreg:$0x3] =	wrdreg s4  }
0xaa: {  	[dreg:$0x4] =	wrdreg $0xC0  }
0xab: {  	_ =	task [dreg:s6], $0x5FFFF  }
0xac: {  	[dreg:$0x1] =	wrdreg $0xFFFFFFFF  }
0xad: {  	[dreg:$0x0] =	wrdreg $0x60  }
0xae: {  	[dreg:$0x2] =	wrdreg s24  }
0xaf: {  	[dreg:$0x3] =	wrdreg $0x9  }
0xb0: {  	_ =	task.clear_ibuf [dreg:s6], $0x4FFFF;
	_ =	strace $0x90000046  }
0xb1: {  	s29 =	simm.s32 $0x9;
	_ =	strace $0x80000048  }
0xb2: {  	_ =	swait.ge [sflag:s29], $0x1  }
0xb3: {  	[sflag:s29] =	ssyncadd.s32 $0xFFFFFFFF  }
0xb4: {  	_ =	strace $0x90000048  }
0xb5: {  	_ =	sfence  }
0xb6: {  	s30 =	sld [smem:$0x0];
	_ =	sdelay $0x2  }
0xb7: {  	s31 =	sshll.u32 s1, $0xD;
	s1 =	sshrl.u32 s1, $0x2  }
0xb8: {  	s3 =	sand.u32 $0x4000, s31;
	s1 =	sadd.s32 s1, s30  }
0xb9: {  	s0 =	sor.u32 s3, s0;
	s1 =	sshll.u32 s1, $0x11  }
0xba: {  	s0 =	sor.u32 s1, s0  }
0xbb: {  	s0 =	sadd.s32 $0x8F2B, s0  }
0xbc: {  	[sflag:s0] =	ssyncadd.remote.s32 $0x1  }
0xbd: {  	_ =	sfence.sel $0xFFFF  }
0xbe: {  	[dreg:$0x0] =	wrdreg $0xFFFFFFFF;
	(pc) =	sbr.abs _section_cstart, $3  }
0xbf: {  	[dreg:$0x1] =	wrdreg $0xFFFFFFFF  }
0xc0: {  	_ =	task.clear_ibuf [dreg:s6], $0x2FFFF;
	_ =	strace $0x9FFFFFFF  }
0xc1: {  	(tm) =	ssettm $0x7FFFFFFF  }
tec
execute0_lowered:
.L_overlay_start_1:
0x0: {  	(tag) =	ssettag $0x1  }
0x1: {  	s1 =	srdreg.scid;
	s0 =	stileid.u32  }
0x2: {  	s12 =	sand.u32 $0x1, s1;
	s29 =	sshll.u32 s0, $0x1  }
0x3: {  	s13 =	sor.u32 s12, s29  }
0x4: {  	s14 =	rddreg [dreg:$0x0];
	s3 =	smul.u32 $0x30, s13  }
0x5: {  	s2 =	simm.s32 $0x0;
	s1 =	rddreg [dreg:$0x1]  }
0x6: {  	[smem:$0x7FF] =	sst s2;
	s3 =	sadd.s32 s3, s14  }
0x7: {  	_ =	strace $0x80000047;
	s4 =	sadd.s32 $0xE00, s3;
	s3 =	simm.s32 $0x2  }
0x8: {  	[tilespmem:s2], [sflag:$0x2] =	stream.linear.gather [hbm4b:s4+s2], $0x180, $0x38;
	[tilespmem:$0xC180] =	vst v63  }
0x9: {  	_ =	swait.ge [sflag:s3], $0x180  }
0xa: {  	s6 =	simm.s32 $0x80;
	[sflag:s3] =	ssyncset.done $0x0  }
0xb: {  	s7 =	simm.s32 $0x180;
	s5 =	sadd.s32 $0xF43600, s14;
	[sflag:s3] =	ssyncadd.s32 $0xFFFFFE80  }
0xc: {  	[tilespmem:s7], [sflag:$0x1] =	stream.indirect.gather [hbm4b:s5+s6], $0x80, s2, s6, $0xb8;
	[tilespmem:$0xC180] =	vst v63  }
0xd: {  	s8 =	simm.s32 $0x4180  }
0xe: {  	[tilespmem:s8], [sflag:$0x1] =	stream.indirect.gather [hbm4b:s5+s6], $0x80, s6, s6, $0xb8;
	[tilespmem:$0xC180] =	vst v63  }
0xf: {  	s9 =	simm.s32 $0x100;
	s10 =	simm.s32 $0x8180;
	s11 =	simm.s32 $0x1  }
0x10: {  	[tilespmem:s10], [sflag:$0x1] =	stream.indirect.gather [hbm4b:s5+s6], $0x80, s9, s6, $0xb8;
	[tilespmem:$0xC180] =	vst v63  }
0x11: {  	_ =	swait.ge [sflag:s11], $0x4000  }
0x12: {  	[sflag:s11] =	ssyncset.done $0x0  }
0x13: {  	s12 =	ssub.s32 $0x2, s12;
	[sflag:s11] =	ssyncadd.s32 $0xFFFFC000  }
0x14: {  	s15 =	sshrl.u32 s12, $0x1;
	_ =	swait.ge [sflag:s11], $0x4000  }
0x15: {  	s30 =	ssub.s32 s12, s15;
	[sflag:s11] =	ssyncset.done $0x0  }
0x16: {  	s13 =	smul.u32 $0x1800, s13;
	s31 =	smax.u32 s30, $0x1;
	[sflag:s11] =	ssyncadd.s32 $0xFFFFC000  }
0x17: {  	p0 =	sne.s32 s31, $0x1;
	_ =	swait.ge [sflag:s11], $0x4000  }
.Ltmp0:
0x18: {  	s13 =	sadd.s32 s13, s14;
	[sflag:s11] =	ssyncset.done $0x0;
	(pc) =	sbr.rel @!p0 .LBB2_2-.Ltmp0, $4  }
0x19: {  	s12 =	sadd.s32 $0x1400, s13;
	[sflag:s11] =	ssyncadd.s32 $0xFFFFC000  }
0x1a: {  	[hbm4b:s12+s2] =	stream.linear.scatter [tilespmem:s7], [sflag:$0x2], $0xC000, $0x38;
	[tilespmem:$0xC180] =	vst v63  }
0x1b: {  	_ =	swait.ge [sflag:s3], $0xC000  }
0x1c: {  	s13 =	sadd.s32 $0xFFFFFFFF, s31;
	[sflag:s3] =	ssyncset.done $0x0  }
.LBB2_1:
0x1d: {  	p0 =	sne.s32 s13, $0x1;
	s13 =	sadd.s32 $0xFFFFFFFF, s13;
	[sflag:s3] =	ssyncadd.s32 $0xFFFF4000  }
0x1e: {  	[tilespmem:s2], [sflag:$0x2] =	stream.linear.gather [hbm4b:s4+s2], $0x180, $0x38;
	[tilespmem:$0xC180] =	vst v63  }
0x1f: {  	_ =	swait.ge [sflag:s3], $0x180  }
0x20: {  	[sflag:s3] =	ssyncset.done $0x0  }
0x21: {  	[sflag:s3] =	ssyncadd.s32 $0xFFFFFE80  }
0x22: {  	[tilespmem:s7], [sflag:$0x1] =	stream.indirect.gather [hbm4b:s5+s6], $0x80, s2, s6, $0xb8;
	[tilespmem:$0xC180] =	vst v63  }
0x23: {  	_ = 	snop  }
0x24: {  	[tilespmem:s8], [sflag:$0x1] =	stream.indirect.gather [hbm4b:s5+s6], $0x80, s6, s6, $0xb8;
	[tilespmem:$0xC180] =	vst v63  }
0x25: {  	_ = 	snop  }
0x26: {  	[tilespmem:s10], [sflag:$0x1] =	stream.indirect.gather [hbm4b:s5+s6], $0x80, s9, s6, $0xb8;
	[tilespmem:$0xC180] =	vst v63  }
0x27: {  	_ =	swait.ge [sflag:s11], $0x4000  }
0x28: {  	[sflag:s11] =	ssyncset.done $0x0  }
0x29: {  	[sflag:s11] =	ssyncadd.s32 $0xFFFFC000  }
0x2a: {  	_ =	swait.ge [sflag:s11], $0x4000  }
0x2b: {  	[sflag:s11] =	ssyncset.done $0x0  }
0x2c: {  	[sflag:s11] =	ssyncadd.s32 $0xFFFFC000  }
0x2d: {  	_ =	swait.ge [sflag:s11], $0x4000  }
.Ltmp1:
0x2e: {  	[sflag:s11] =	ssyncset.done $0x0;
	(pc) =	sbr.rel @p0 .LBB2_1-.Ltmp1, $4  }
0x2f: {  	[sflag:s11] =	ssyncadd.s32 $0xFFFFC000  }
0x30: {  	[hbm4b:s12+s2] =	stream.linear.scatter [tilespmem:s7], [sflag:$0x2], $0xC000, $0x38;
	[tilespmem:$0xC180] =	vst v63  }
0x31: {  	_ =	swait.ge [sflag:s3], $0xC000  }
0x32: {  	[sflag:s3] =	ssyncset.done $0x0  }
.LBB2_2:
0x33: {  	[sflag:s3] =	ssyncadd.s32 $0xFFFF4000  }
0x34: {  	_ =	sfence.sel $0x180000  }
0x35: {  	[bflag:$0x0] =	sbarrier.arrive $0xFFFF  }
0x36: {  	p0 =	sne.s32 s0, $0x0;
	_ =	strace $0x90000047  }
0x37: {  	s0 =	sadd.s32 @!p0 $0x100000, s1;
	[bflag:$0x2] =	sbarrier.arrive $0xFFFF  }
0x38: {  	[sflag:s0] =	ssyncadd.tile.s32 @!p0 $0x1;
	_ =	shalt  }
.Lfunc_end2:
_tile_overlayer_lowered:
.L_overlay_start_2:
0x39: {  	(tag) =	ssettag $0x2  }
0x3a: {  	s0 =	rddreg [dreg:$0x0];
	s2 =	stileid.u32  }
0x3b: {  	s1 =	rddreg [dreg:$0x1];
	p0 =	sne.s32 s2, $0x0  }
0x3c: {  	s3 =	rddreg [dreg:$0x2];
	[bflag:$0x3] =	sbarrier.arrive $0xFFFF;
	s2 =	simm.s32 @!p0 $0x1C02  }
0x3d: {  	[timem:s3], [sflag:s2] =	dma.local @!p0 [hbm:s0], s1  }
0x3e: {  	s0 =	simm.s32 @!p0 $0x2  }
0x3f: {  	_ =	swait.ge @!p0 [sflag:s0], s1  }
0x40: {  	s1 =	ssub.s32 @!p0 $0x0, s1;
	[sflag:s0] =	ssyncset.done @!p0 $0x0  }
0x41: {  	[sflag:s0] =	ssyncadd.s32 @!p0 s1  }
0x42: {  	[bflag:$0x3] =	sbarrier.arrive $0xFFFF  }
0x43: {  	_ =	shalt  }

</sc_bundles>
